<compile_context>
chip_gen: v7x
topology: tpu7x:2x2x1
jax: 0.10.2.dev20260603
libtpu: 0.0.44.dev20260713+nightly
codegen_flags: <defaults>
</compile_context>

<pallas_src>
import jax
import jax.numpy as jnp
from jax import lax
from jax.experimental import pallas as pl
from jax.experimental.pallas import tpu as pltpu
from jax.experimental.pallas import tpu_sc as plsc

jax.config.update("jax_enable_x64", True)

_NC, _NS, _L = 2, 16, 16
_NW = _NC * _NS

_BATCH, _HIST = 16384, 200
_N = _BATCH * _HIST
_WPW = _N // _NW
_CHUNK = 25600
_NCHUNK = _WPW // _CHUNK
_TAB = 120


def _lookup_body(in_hbm, tab_hbm, out_hbm, tab_v,
                 in_v0, in_v1, out_v0, out_v1,
                 sem_i0, sem_i1, sem_o0, sem_o1):
    i32 = jnp.int32
    wid = lax.axis_index("s") * i32(_NC) + lax.axis_index("c")
    base = wid * i32(_WPW)
    pltpu.sync_copy(tab_hbm, tab_v)

    in_bufs, out_bufs = (in_v0, in_v1), (out_v0, out_v1)
    in_sems, out_sems = (sem_i0, sem_i1), (sem_o0, sem_o1)

    def in_dma(c):
        off = base + i32(c * _CHUNK)
        return pltpu.async_copy(
            in_hbm.at[pl.ds(off, _CHUNK)], in_bufs[c % 2], in_sems[c % 2])

    def out_dma(c):
        off = base + i32(c * _CHUNK)
        return pltpu.async_copy(
            out_bufs[c % 2], out_hbm.at[pl.ds(off, _CHUNK)], out_sems[c % 2])

    pending_in = {0: in_dma(0)}
    pending_out = {}
    for c in range(_NCHUNK):
        cur = c % 2
        if c + 1 < _NCHUNK:
            pending_in[c + 1] = in_dma(c + 1)
        pending_in.pop(c).wait()
        if c - 2 in pending_out:
            pending_out.pop(c - 2).wait()
        in_v, out_v = in_bufs[cur], out_bufs[cur]

        @plsc.parallel_loop(i32(0), i32(_CHUNK // _L), i32(1), unroll=8)
        def word_body(i):
            j = i * i32(_L)
            out_v[pl.ds(j, _L)] = plsc.load_gather(tab_v, [in_v[pl.ds(j, _L)]])

        pending_out[c] = out_dma(c)
    for c in sorted(pending_out):
        pending_out.pop(c).wait()


def kernel(inputs, table):
    in32 = (lax.bitcast_convert_type(inputs.astype(jnp.uint32), jnp.int32)
            .reshape(_BATCH // 128, 128, _HIST // 8, 8)
            .transpose(2, 0, 3, 1).reshape(_N))
    tab32 = lax.bitcast_convert_type(table.astype(jnp.uint32), jnp.int32)
    mesh = plsc.VectorSubcoreMesh(
        core_axis_name="c", subcore_axis_name="s",
        num_cores=_NC, num_subcores=_NS)
    out32 = pl.kernel(
        _lookup_body,
        out_type=jax.ShapeDtypeStruct((_N,), jnp.int32),
        mesh=mesh,
        scratch_types=[
            pltpu.VMEM((_TAB,), jnp.int32),
            pltpu.VMEM((_CHUNK,), jnp.int32),
            pltpu.VMEM((_CHUNK,), jnp.int32),
            pltpu.VMEM((_CHUNK,), jnp.int32),
            pltpu.VMEM((_CHUNK,), jnp.int32),
            pltpu.SemaphoreType.DMA,
            pltpu.SemaphoreType.DMA,
            pltpu.SemaphoreType.DMA,
            pltpu.SemaphoreType.DMA,
        ],
        compiler_params=pltpu.CompilerParams(needs_layout_passes=False),
    )(in32, tab32)
    out2d = (out32.reshape(_HIST // 8, _BATCH // 128, 8, 128)
             .transpose(1, 3, 0, 2).reshape(_BATCH, _HIST))
    outu = lax.bitcast_convert_type(out2d, jnp.uint32).astype(jnp.uint64)
    return lax.bitcast_convert_type(outu, jnp.int64)

# --- scband reference (transcript-rebuilt; emitter-appended) ---
"""Pipeline reference for scband-string-lookup-39298950758608 (READ-ONLY COPY).

The authoritative reference and input builder live on the scoring server;
editing this copy changes nothing except your own understanding.
"""

import jax, jax.numpy as jnp
import numpy as np

jax.config.update("jax_enable_x64", True)

NUM_TOKENS = 100   # vocabulary tokens '0'..'99'
VOCAB_SIZE = 101   # '[UNK]' inserted at index 0 by the layer constructor
INPUT_MAX = 120    # raw integer input range; values >= 100 are OOV
BATCH = 16384
HIST_LEN = 200


def setup_inputs(seed: int = 0) -> dict:
    key = jax.random.key(seed)
    inputs = jax.random.randint(key, (BATCH, HIST_LEN), 0, INPUT_MAX, dtype=jnp.int64)
    # Materialization of the tf.lookup.StaticHashTable:
    #   the layer does tf.strings.as_string(inputs) then table.lookup(strings).
    #   Token str(v) maps to vocab index v+1 (because '[UNK]' occupies index 0);
    #   any value not in the vocabulary maps to the default_value = index of '[UNK]' = 0.
    # Since raw inputs are dense ints in [0, INPUT_MAX), the hash table is exactly
    # equivalent to this dense lookup table over the input domain.
    table = jnp.array([(v + 1) if v < NUM_TOKENS else 0 for v in range(INPUT_MAX)], dtype=jnp.int64)
    return {"inputs": inputs, "table": table}


def reference(inputs, table):
    # call(): inputs -> tf.strings.as_string -> StaticHashTable.lookup -> int64 vocab ids
    # Equivalent dense gather (maps to SparseCore gather):
    return jnp.take(table, inputs, axis=0)

if __name__ == "__main__":
    import jax
    _d = setup_inputs()
    print(jax.jit(kernel)(*tuple(_d.values())))

</pallas_src>

<mosaic_0001>
#map = affine_map<(d0, d1) -> (0)>
module attributes {stable_mosaic.version = 14 : i64} {
  func.func @_lookup_body(%arg0: i32, %arg1: i32, %arg2: memref<3276800xi32, #tpu.memory_space<hbm>>, %arg3: memref<120xi32, #tpu.memory_space<hbm>>, %arg4: memref<3276800xi32, #tpu.memory_space<hbm>>, %arg5: memref<120xi32, #tpu.memory_space<vmem>>, %arg6: memref<25600xi32, #tpu.memory_space<vmem>>, %arg7: memref<25600xi32, #tpu.memory_space<vmem>>, %arg8: memref<25600xi32, #tpu.memory_space<vmem>>, %arg9: memref<25600xi32, #tpu.memory_space<vmem>>, %arg10: memref<!tpu.dma_semaphore, #tpu.memory_space<semaphore_mem>>, %arg11: memref<!tpu.dma_semaphore, #tpu.memory_space<semaphore_mem>>, %arg12: memref<!tpu.dma_semaphore, #tpu.memory_space<semaphore_mem>>, %arg13: memref<!tpu.dma_semaphore, #tpu.memory_space<semaphore_mem>>) attributes {dimension_semantics = [#tpu.dimension_semantics<core_parallel>, #tpu.dimension_semantics<subcore_parallel>], iteration_bounds = array<i64: 2, 16>, scalar_prefetch = 0 : i64, scratch_operands = 9 : i64, tpu.core_type = #tpu.core_type<sc_vector_subcore>, window_params = [{transform_indices = #map}, {transform_indices = #map}, {transform_indices = #map}]} {
    %mul3A = arith.constant 2 : i32
    %mul3A_0 = arith.muli %arg1, %mul3A : i32
    %add3A = arith.addi %mul3A_0, %arg0 : i32
    %mul3A_1 = arith.constant 102400 : i32
    %mul3A_2 = arith.muli %add3A, %mul3A_1 : i32
    "tpu.region"() ({
      %run_scoped3A = tpu.sem_alloc : memref<!tpu.dma_semaphore, #tpu.memory_space<semaphore_mem>>
      tpu.enqueue_dma source(%arg3 : memref<120xi32, #tpu.memory_space<hbm>>) target(%arg5 : memref<120xi32, #tpu.memory_space<vmem>>) target_semaphore(%run_scoped3A : memref<!tpu.dma_semaphore, #tpu.memory_space<semaphore_mem>>)
      tpu.wait_dma2 semaphore(%run_scoped3A : memref<!tpu.dma_semaphore, #tpu.memory_space<semaphore_mem>>) src(%arg3 : memref<120xi32, #tpu.memory_space<hbm>>) dst(%arg5 : memref<120xi32, #tpu.memory_space<vmem>>)
      tpu.yield
    }) : () -> ()
    %add3A_3 = arith.constant 0 : i32
    %add3A_4 = arith.addi %mul3A_2, %add3A_3 : i32
    %dma_start3A = tpu.memref_slice %arg2[%add3A_4] : memref<3276800xi32, #tpu.memory_space<hbm>> -> memref<25600xi32, #tpu.memory_space<hbm>>
    %dma_start3A_5 = tpu.memref_slice %arg2[%add3A_4] : memref<3276800xi32, #tpu.memory_space<hbm>> -> memref<25600xi32, #tpu.memory_space<hbm>>
    tpu.enqueue_dma source(%dma_start3A_5 : memref<25600xi32, #tpu.memory_space<hbm>>) target(%arg6 : memref<25600xi32, #tpu.memory_space<vmem>>) target_semaphore(%arg10 : memref<!tpu.dma_semaphore, #tpu.memory_space<semaphore_mem>>)
    %add3A_6 = arith.constant 25600 : i32
    %add3A_7 = arith.addi %mul3A_2, %add3A_6 : i32
    %dma_start3A_8 = tpu.memref_slice %arg2[%add3A_7] : memref<3276800xi32, #tpu.memory_space<hbm>> -> memref<25600xi32, #tpu.memory_space<hbm>>
    %dma_start3A_9 = tpu.memref_slice %arg2[%add3A_7] : memref<3276800xi32, #tpu.memory_space<hbm>> -> memref<25600xi32, #tpu.memory_space<hbm>>
    tpu.enqueue_dma source(%dma_start3A_9 : memref<25600xi32, #tpu.memory_space<hbm>>) target(%arg7 : memref<25600xi32, #tpu.memory_space<vmem>>) target_semaphore(%arg11 : memref<!tpu.dma_semaphore, #tpu.memory_space<semaphore_mem>>)
    %dma_wait3A = tpu.memref_slice %arg2[%add3A_4] : memref<3276800xi32, #tpu.memory_space<hbm>> -> memref<25600xi32, #tpu.memory_space<hbm>>
    %dma_wait3A_10 = tpu.memref_slice %arg2[%add3A_4] : memref<3276800xi32, #tpu.memory_space<hbm>> -> memref<25600xi32, #tpu.memory_space<hbm>>
    tpu.wait_dma2 semaphore(%arg10 : memref<!tpu.dma_semaphore, #tpu.memory_space<semaphore_mem>>) src(%dma_wait3A_10 : memref<25600xi32, #tpu.memory_space<hbm>>) dst(%arg6 : memref<25600xi32, #tpu.memory_space<vmem>>)
    %parallel_loop3A = arith.constant 0 : i32
    %parallel_loop3A_11 = arith.constant 1600 : i32
    %parallel_loop3A_12 = arith.constant 1 : i32
    scf.for %parallel_loop3A_60 = %parallel_loop3A to %parallel_loop3A_11 step %parallel_loop3A_12  : i32 {
      %parallel_loop3A_61 = arith.constant 16 : i32
      %parallel_loop3A_62 = arith.muli %parallel_loop3A_60, %parallel_loop3A_61 : i32
      %parallel_loop3A_63 = arith.index_cast %parallel_loop3A_62 : i32 to index
      %parallel_loop3A_64 = tpu.vector_load %arg6[%parallel_loop3A_63] {strides = array<i32>} : memref<25600xi32, #tpu.memory_space<vmem>>, vector<16xi32>,
      %parallel_loop3A_65 = tpu.vector_load_idx %arg5[%parallel_loop3A_64] : memref<120xi32, #tpu.memory_space<vmem>>[vector<16xi32>], vector<16xi32>,
      %parallel_loop3A_66 = arith.index_cast %parallel_loop3A_62 : i32 to index
      %parallel_loop3A_67 = tpu.vector_load %arg8[%parallel_loop3A_66] {strides = array<i32>} : memref<25600xi32, #tpu.memory_space<vmem>>, vector<16xi32>,
      tpu.vector_store %arg8[%parallel_loop3A_66], %parallel_loop3A_65 {strides = array<i32>} : memref<25600xi32, #tpu.memory_space<vmem>>, vector<16xi32>,
    } {sc.loop_unroll_factor = 8 : i64, sc.parallel_access}
    %add3A_13 = arith.constant 0 : i32
    %add3A_14 = arith.addi %mul3A_2, %add3A_13 : i32
    %dma_start3A_15 = tpu.memref_slice %arg4[%add3A_14] : memref<3276800xi32, #tpu.memory_space<hbm>> -> memref<25600xi32, #tpu.memory_space<hbm>>
    %dma_start3A_16 = tpu.memref_slice %arg4[%add3A_14] : memref<3276800xi32, #tpu.memory_space<hbm>> -> memref<25600xi32, #tpu.memory_space<hbm>>
    tpu.enqueue_dma source(%arg8 : memref<25600xi32, #tpu.memory_space<vmem>>) target(%dma_start3A_16 : memref<25600xi32, #tpu.memory_space<hbm>>) target_semaphore(%arg12 : memref<!tpu.dma_semaphore, #tpu.memory_space<semaphore_mem>>)
    %add3A_17 = arith.constant 51200 : i32
    %add3A_18 = arith.addi %mul3A_2, %add3A_17 : i32
    %dma_start3A_19 = tpu.memref_slice %arg2[%add3A_18] : memref<3276800xi32, #tpu.memory_space<hbm>> -> memref<25600xi32, #tpu.memory_space<hbm>>
    %dma_start3A_20 = tpu.memref_slice %arg2[%add3A_18] : memref<3276800xi32, #tpu.memory_space<hbm>> -> memref<25600xi32, #tpu.memory_space<hbm>>
    tpu.enqueue_dma source(%dma_start3A_20 : memref<25600xi32, #tpu.memory_space<hbm>>) target(%arg6 : memref<25600xi32, #tpu.memory_space<vmem>>) target_semaphore(%arg10 : memref<!tpu.dma_semaphore, #tpu.memory_space<semaphore_mem>>)
    %dma_wait3A_21 = tpu.memref_slice %arg2[%add3A_7] : memref<3276800xi32, #tpu.memory_space<hbm>> -> memref<25600xi32, #tpu.memory_space<hbm>>
    %dma_wait3A_22 = tpu.memref_slice %arg2[%add3A_7] : memref<3276800xi32, #tpu.memory_space<hbm>> -> memref<25600xi32, #tpu.memory_space<hbm>>
    tpu.wait_dma2 semaphore(%arg11 : memref<!tpu.dma_semaphore, #tpu.memory_space<semaphore_mem>>) src(%dma_wait3A_22 : memref<25600xi32, #tpu.memory_space<hbm>>) dst(%arg7 : memref<25600xi32, #tpu.memory_space<vmem>>)
    %parallel_loop3A_23 = arith.constant 0 : i32
    %parallel_loop3A_24 = arith.constant 1600 : i32
    %parallel_loop3A_25 = arith.constant 1 : i32
    scf.for %parallel_loop3A_60 = %parallel_loop3A_23 to %parallel_loop3A_24 step %parallel_loop3A_25  : i32 {
      %parallel_loop3A_61 = arith.constant 16 : i32
      %parallel_loop3A_62 = arith.muli %parallel_loop3A_60, %parallel_loop3A_61 : i32
      %parallel_loop3A_63 = arith.index_cast %parallel_loop3A_62 : i32 to index
      %parallel_loop3A_64 = tpu.vector_load %arg7[%parallel_loop3A_63] {strides = array<i32>} : memref<25600xi32, #tpu.memory_space<vmem>>, vector<16xi32>,
      %parallel_loop3A_65 = tpu.vector_load_idx %arg5[%parallel_loop3A_64] : memref<120xi32, #tpu.memory_space<vmem>>[vector<16xi32>], vector<16xi32>,
      %parallel_loop3A_66 = arith.index_cast %parallel_loop3A_62 : i32 to index
      %parallel_loop3A_67 = tpu.vector_load %arg9[%parallel_loop3A_66] {strides = array<i32>} : memref<25600xi32, #tpu.memory_space<vmem>>, vector<16xi32>,
      tpu.vector_store %arg9[%parallel_loop3A_66], %parallel_loop3A_65 {strides = array<i32>} : memref<25600xi32, #tpu.memory_space<vmem>>, vector<16xi32>,
    } {sc.loop_unroll_factor = 8 : i64, sc.parallel_access}
    %add3A_26 = arith.constant 25600 : i32
    %add3A_27 = arith.addi %mul3A_2, %add3A_26 : i32
    %dma_start3A_28 = tpu.memref_slice %arg4[%add3A_27] : memref<3276800xi32, #tpu.memory_space<hbm>> -> memref<25600xi32, #tpu.memory_space<hbm>>
    %dma_start3A_29 = tpu.memref_slice %arg4[%add3A_27] : memref<3276800xi32, #tpu.memory_space<hbm>> -> memref<25600xi32, #tpu.memory_space<hbm>>
    tpu.enqueue_dma source(%arg9 : memref<25600xi32, #tpu.memory_space<vmem>>) target(%dma_start3A_29 : memref<25600xi32, #tpu.memory_space<hbm>>) target_semaphore(%arg13 : memref<!tpu.dma_semaphore, #tpu.memory_space<semaphore_mem>>)
    %add3A_30 = arith.constant 76800 : i32
    %add3A_31 = arith.addi %mul3A_2, %add3A_30 : i32
    %dma_start3A_32 = tpu.memref_slice %arg2[%add3A_31] : memref<3276800xi32, #tpu.memory_space<hbm>> -> memref<25600xi32, #tpu.memory_space<hbm>>
    %dma_start3A_33 = tpu.memref_slice %arg2[%add3A_31] : memref<3276800xi32, #tpu.memory_space<hbm>> -> memref<25600xi32, #tpu.memory_space<hbm>>
    tpu.enqueue_dma source(%dma_start3A_33 : memref<25600xi32, #tpu.memory_space<hbm>>) target(%arg7 : memref<25600xi32, #tpu.memory_space<vmem>>) target_semaphore(%arg11 : memref<!tpu.dma_semaphore, #tpu.memory_space<semaphore_mem>>)
    %dma_wait3A_34 = tpu.memref_slice %arg2[%add3A_18] : memref<3276800xi32, #tpu.memory_space<hbm>> -> memref<25600xi32, #tpu.memory_space<hbm>>
    %dma_wait3A_35 = tpu.memref_slice %arg2[%add3A_18] : memref<3276800xi32, #tpu.memory_space<hbm>> -> memref<25600xi32, #tpu.memory_space<hbm>>
    tpu.wait_dma2 semaphore(%arg10 : memref<!tpu.dma_semaphore, #tpu.memory_space<semaphore_mem>>) src(%dma_wait3A_35 : memref<25600xi32, #tpu.memory_space<hbm>>) dst(%arg6 : memref<25600xi32, #tpu.memory_space<vmem>>)
    %dma_wait3A_36 = tpu.memref_slice %arg4[%add3A_14] : memref<3276800xi32, #tpu.memory_space<hbm>> -> memref<25600xi32, #tpu.memory_space<hbm>>
    %dma_wait3A_37 = tpu.memref_slice %arg4[%add3A_14] : memref<3276800xi32, #tpu.memory_space<hbm>> -> memref<25600xi32, #tpu.memory_space<hbm>>
    tpu.wait_dma2 semaphore(%arg12 : memref<!tpu.dma_semaphore, #tpu.memory_space<semaphore_mem>>) src(%arg8 : memref<25600xi32, #tpu.memory_space<vmem>>) dst(%dma_wait3A_37 : memref<25600xi32, #tpu.memory_space<hbm>>)
    %parallel_loop3A_38 = arith.constant 0 : i32
    %parallel_loop3A_39 = arith.constant 1600 : i32
    %parallel_loop3A_40 = arith.constant 1 : i32
    scf.for %parallel_loop3A_60 = %parallel_loop3A_38 to %parallel_loop3A_39 step %parallel_loop3A_40  : i32 {
      %parallel_loop3A_61 = arith.constant 16 : i32
      %parallel_loop3A_62 = arith.muli %parallel_loop3A_60, %parallel_loop3A_61 : i32
      %parallel_loop3A_63 = arith.index_cast %parallel_loop3A_62 : i32 to index
      %parallel_loop3A_64 = tpu.vector_load %arg6[%parallel_loop3A_63] {strides = array<i32>} : memref<25600xi32, #tpu.memory_space<vmem>>, vector<16xi32>,
      %parallel_loop3A_65 = tpu.vector_load_idx %arg5[%parallel_loop3A_64] : memref<120xi32, #tpu.memory_space<vmem>>[vector<16xi32>], vector<16xi32>,
      %parallel_loop3A_66 = arith.index_cast %parallel_loop3A_62 : i32 to index
      %parallel_loop3A_67 = tpu.vector_load %arg8[%parallel_loop3A_66] {strides = array<i32>} : memref<25600xi32, #tpu.memory_space<vmem>>, vector<16xi32>,
      tpu.vector_store %arg8[%parallel_loop3A_66], %parallel_loop3A_65 {strides = array<i32>} : memref<25600xi32, #tpu.memory_space<vmem>>, vector<16xi32>,
    } {sc.loop_unroll_factor = 8 : i64, sc.parallel_access}
    %add3A_41 = arith.constant 51200 : i32
    %add3A_42 = arith.addi %mul3A_2, %add3A_41 : i32
    %dma_start3A_43 = tpu.memref_slice %arg4[%add3A_42] : memref<3276800xi32, #tpu.memory_space<hbm>> -> memref<25600xi32, #tpu.memory_space<hbm>>
    %dma_start3A_44 = tpu.memref_slice %arg4[%add3A_42] : memref<3276800xi32, #tpu.memory_space<hbm>> -> memref<25600xi32, #tpu.memory_space<hbm>>
    tpu.enqueue_dma source(%arg8 : memref<25600xi32, #tpu.memory_space<vmem>>) target(%dma_start3A_44 : memref<25600xi32, #tpu.memory_space<hbm>>) target_semaphore(%arg12 : memref<!tpu.dma_semaphore, #tpu.memory_space<semaphore_mem>>)
    %dma_wait3A_45 = tpu.memref_slice %arg2[%add3A_31] : memref<3276800xi32, #tpu.memory_space<hbm>> -> memref<25600xi32, #tpu.memory_space<hbm>>
    %dma_wait3A_46 = tpu.memref_slice %arg2[%add3A_31] : memref<3276800xi32, #tpu.memory_space<hbm>> -> memref<25600xi32, #tpu.memory_space<hbm>>
    tpu.wait_dma2 semaphore(%arg11 : memref<!tpu.dma_semaphore, #tpu.memory_space<semaphore_mem>>) src(%dma_wait3A_46 : memref<25600xi32, #tpu.memory_space<hbm>>) dst(%arg7 : memref<25600xi32, #tpu.memory_space<vmem>>)
    %dma_wait3A_47 = tpu.memref_slice %arg4[%add3A_27] : memref<3276800xi32, #tpu.memory_space<hbm>> -> memref<25600xi32, #tpu.memory_space<hbm>>
    %dma_wait3A_48 = tpu.memref_slice %arg4[%add3A_27] : memref<3276800xi32, #tpu.memory_space<hbm>> -> memref<25600xi32, #tpu.memory_space<hbm>>
    tpu.wait_dma2 semaphore(%arg13 : memref<!tpu.dma_semaphore, #tpu.memory_space<semaphore_mem>>) src(%arg9 : memref<25600xi32, #tpu.memory_space<vmem>>) dst(%dma_wait3A_48 : memref<25600xi32, #tpu.memory_space<hbm>>)
    %parallel_loop3A_49 = arith.constant 0 : i32
    %parallel_loop3A_50 = arith.constant 1600 : i32
    %parallel_loop3A_51 = arith.constant 1 : i32
    scf.for %parallel_loop3A_60 = %parallel_loop3A_49 to %parallel_loop3A_50 step %parallel_loop3A_51  : i32 {
      %parallel_loop3A_61 = arith.constant 16 : i32
      %parallel_loop3A_62 = arith.muli %parallel_loop3A_60, %parallel_loop3A_61 : i32
      %parallel_loop3A_63 = arith.index_cast %parallel_loop3A_62 : i32 to index
      %parallel_loop3A_64 = tpu.vector_load %arg7[%parallel_loop3A_63] {strides = array<i32>} : memref<25600xi32, #tpu.memory_space<vmem>>, vector<16xi32>,
      %parallel_loop3A_65 = tpu.vector_load_idx %arg5[%parallel_loop3A_64] : memref<120xi32, #tpu.memory_space<vmem>>[vector<16xi32>], vector<16xi32>,
      %parallel_loop3A_66 = arith.index_cast %parallel_loop3A_62 : i32 to index
      %parallel_loop3A_67 = tpu.vector_load %arg9[%parallel_loop3A_66] {strides = array<i32>} : memref<25600xi32, #tpu.memory_space<vmem>>, vector<16xi32>,
      tpu.vector_store %arg9[%parallel_loop3A_66], %parallel_loop3A_65 {strides = array<i32>} : memref<25600xi32, #tpu.memory_space<vmem>>, vector<16xi32>,
    } {sc.loop_unroll_factor = 8 : i64, sc.parallel_access}
    %add3A_52 = arith.constant 76800 : i32
    %add3A_53 = arith.addi %mul3A_2, %add3A_52 : i32
    %dma_start3A_54 = tpu.memref_slice %arg4[%add3A_53] : memref<3276800xi32, #tpu.memory_space<hbm>> -> memref<25600xi32, #tpu.memory_space<hbm>>
    %dma_start3A_55 = tpu.memref_slice %arg4[%add3A_53] : memref<3276800xi32, #tpu.memory_space<hbm>> -> memref<25600xi32, #tpu.memory_space<hbm>>
    tpu.enqueue_dma source(%arg9 : memref<25600xi32, #tpu.memory_space<vmem>>) target(%dma_start3A_55 : memref<25600xi32, #tpu.memory_space<hbm>>) target_semaphore(%arg13 : memref<!tpu.dma_semaphore, #tpu.memory_space<semaphore_mem>>)
    %dma_wait3A_56 = tpu.memref_slice %arg4[%add3A_42] : memref<3276800xi32, #tpu.memory_space<hbm>> -> memref<25600xi32, #tpu.memory_space<hbm>>
    %dma_wait3A_57 = tpu.memref_slice %arg4[%add3A_42] : memref<3276800xi32, #tpu.memory_space<hbm>> -> memref<25600xi32, #tpu.memory_space<hbm>>
    tpu.wait_dma2 semaphore(%arg12 : memref<!tpu.dma_semaphore, #tpu.memory_space<semaphore_mem>>) src(%arg8 : memref<25600xi32, #tpu.memory_space<vmem>>) dst(%dma_wait3A_57 : memref<25600xi32, #tpu.memory_space<hbm>>)
    %dma_wait3A_58 = tpu.memref_slice %arg4[%add3A_53] : memref<3276800xi32, #tpu.memory_space<hbm>> -> memref<25600xi32, #tpu.memory_space<hbm>>
    %dma_wait3A_59 = tpu.memref_slice %arg4[%add3A_53] : memref<3276800xi32, #tpu.memory_space<hbm>> -> memref<25600xi32, #tpu.memory_space<hbm>>
    tpu.wait_dma2 semaphore(%arg13 : memref<!tpu.dma_semaphore, #tpu.memory_space<semaphore_mem>>) src(%arg9 : memref<25600xi32, #tpu.memory_space<vmem>>) dst(%dma_wait3A_59 : memref<25600xi32, #tpu.memory_space<hbm>>)
    return
  }
}

</mosaic_0001>

<sc_bundles>
// kernel: kernel.3.cloned.1.call-start
scs
__scs_entry_jumppad:
0x0: {  	(pc) =	sbr.rel $0x88, $3  }
0x1: {  	(tag) =	ssettag $0x0;
	lr =	simm.s32 $0x1  }
0x2: {  	[smem:$0x3F9F] =	sst lr;
	_ =	strace $0xD0000000  }
0x3: {  	_ = 	snop  }
0x4: {  	_ = 	snop  }
0x5: {  	_ = 	snop  }
0x6: {  	_ = 	snop  }
0x7: {  	_ = 	snop  }
__scs_overlays_trampoline_lowered:
0x8: {  	[smem:$0x3FAE] =	sst s0  }
0x9: {  	[smem:$0x3FAF] =	sst s1  }
0xa: {  	[smem:$0x3FB0] =	sst s2  }
0xb: {  	[smem:$0x3FB1] =	sst s3  }
0xc: {  	[smem:$0x3FB2] =	sst s4  }
0xd: {  	[smem:$0x3FB3] =	sst s5  }
0xe: {  	[smem:$0x3FB4] =	sst s6  }
0xf: {  	[smem:$0x3FB5] =	sst s7  }
0x10: {  	[smem:$0x3FB6] =	sst s8  }
0x11: {  	[smem:$0x3FB7] =	sst s9;
	s0 =	simm.s32 @!p0 $0x0  }
0x12: {  	s1 =	sld [smem:$0x3F9D];
	s0 =	simm.s32 @p0 $0x1  }
0x13: {  	[smem:$0x3FB8] =	sst s0;
	s0 =	simm.s32 @!p1 $0x0  }
0x14: {  	s2 =	sld [smem:$0x3F9C];
	s0 =	simm.s32 @p1 $0x1  }
0x15: {  	[smem:$0x3FB9] =	sst s0;
	s0 =	simm.s32 @!p2 $0x0  }
0x16: {  	s3 =	sld [smem:$0x3FDB];
	s0 =	simm.s32 @p2 $0x1  }
0x17: {  	s4 =	simm.s32 $0x1BF5;
	[smem:$0x3FBB] =	sst s0  }
0x18: {  	s0 =	sld [smem:$0x3F9E];
	_ =	swait.ge [sflag:s4], $0x0  }
0x19: {  	s7 =	sld [smem:$0x3F9F]  }
0x1a: {  	s8 =	sadd.s32 $0xFFFFE003, lr  }
0x1b: {  	s9 =	sadd.s32 $0xFFFFFEF7, lr;
	s5 =	simm.s32 $0xFFFFFFFF;
	p2 =	slt.u32 s8, $0xFFFFF086  }
0x1c: {  	p1 =	slt.u32 s9, $0xF7A;
	s5 =	simm.s32 @!p2 $0x0  }
0x1d: {  	s5 =	simm.s32 @p1 $0x1;
	p0 =	seq.s32 s7, s2  }
0x1e: {  	s7 =	smul.u32 @!p0 $0xF7A, s2;
	p2 =	seq.s32 @!p0 s5, $0x0  }
0x1f: {  	s9 =	smul.u32 $0xF7A, s1;
	s8 =	simm.s32 @!p0 $0x1BF5;
	p2 =	por !p2, p0  }
0x20: {  	[sflag:s8] =	ssyncset.s32 @!p0 $0xFFFFF086;
	s6 =	sadd.s32 @!p0 s3, s7;
	s7 =	simm.s32 @!p0 $0x108  }
0x21: {  	s3 =	sadd.s32 s3, s9;
	s6 =	sadd.s32 @!p0 $0x88, s6;
	s7 =	simm.s32 @p2 $0x1082  }
0x22: {  	[simem:s7], [sflag:s8] =	dma.local @!p0 [hbm:s6], $0xF7A  }
0x23: {  	s9 =	sor.u32 $0xD0000000, s2;
	s6 =	simm.s32 $0x108;
	_ =	swait.ge @!p0 [sflag:s8], $0x0  }
0x24: {  	s3 =	sadd.s32 $0x88, s3;
	s6 =	simm.s32 @!p1 $0x1082;
	[sflag:s4] =	ssyncset.s32 $0xFFFFF086  }
0x25: {  	[simem:s6], [sflag:s4] =	dma.local [hbm:s3], $0xF7A  }
0x26: {  	[smem:$0x3F9F] =	sst s1;
	(tag) =	ssettag s2;
	_ =	strace s9  }
0x27: {  	s1 =	sld [smem:$0x3FAF]  }
0x28: {  	s2 =	sld [smem:$0x3FB0]  }
0x29: {  	s4 =	sld [smem:$0x3FB2]  }
0x2a: {  	p0 =	seq.s32 s5, $0x0;
	s5 =	sld [smem:$0x3FB3]  }
0x2b: {  	s6 =	sld [smem:$0x3FB4]  }
0x2c: {  	s7 =	sld [smem:$0x3FB5]  }
0x2d: {  	s3 =	simm.s32 $0x108;
	s8 =	sld [smem:$0x3FB6]  }
0x2e: {  	s3 =	simm.s32 @!p0 $0x1082;
	s9 =	sld [smem:$0x3FB7]  }
0x2f: {  	lr =	sadd.s32 s0, s3;
	s0 =	sld [smem:$0x3FAE]  }
0x30: {  	s3 =	sld [smem:$0x3FB1]  }
0x31: {  	[smem:$0x3FBA] =	sst s10  }
0x32: {  	s10 =	sld [smem:$0x3FB8];
	_ =	sdelay $0x3  }
0x33: {  	p0 =	seq.s32 s10, $0x1;
	s10 =	sld [smem:$0x3FBA];
	_ =	sdelay $0x3  }
0x34: {  	[smem:$0x3FBA] =	sst s10  }
0x35: {  	s10 =	sld [smem:$0x3FB9];
	_ =	sdelay $0x3  }
0x36: {  	p1 =	seq.s32 s10, $0x1;
	s10 =	sld [smem:$0x3FBA];
	_ =	sdelay $0x3  }
0x37: {  	[smem:$0x3FBA] =	sst s10  }
0x38: {  	s10 =	sld [smem:$0x3FBB]  }
0x39: {  	_ = 	snop;
	(pc) =	sbr.ind lr, $3  }
0x3a: {  	_ = 	snop  }
0x3b: {  	_ = 	snop  }
0x3c: {  	p2 =	seq.s32 s10, $0x1;
	s10 =	sld [smem:$0x3FBA]  }
0x3d: {  	_ =	shalt  }
0x3e: {  	_ =	shalt  }
0x3f: {  	_ =	shalt  }
0x40: {  	_ =	shalt  }
0x41: {  	_ =	shalt  }
0x42: {  	_ =	shalt  }
0x43: {  	_ =	shalt  }
0x44: {  	_ =	shalt  }
0x45: {  	_ =	shalt  }
0x46: {  	_ =	shalt  }
0x47: {  	_ =	shalt  }
0x48: {  	_ =	shalt  }
0x49: {  	_ =	shalt  }
0x4a: {  	_ =	shalt  }
0x4b: {  	_ =	shalt  }
0x4c: {  	_ =	shalt  }
0x4d: {  	_ =	shalt  }
0x4e: {  	_ =	shalt  }
0x4f: {  	_ =	shalt  }
0x50: {  	_ =	shalt  }
0x51: {  	_ =	shalt  }
0x52: {  	_ =	shalt  }
0x53: {  	_ =	shalt  }
0x54: {  	_ =	shalt  }
0x55: {  	_ =	shalt  }
0x56: {  	_ =	shalt  }
0x57: {  	_ =	shalt  }
0x58: {  	_ =	shalt  }
0x59: {  	_ =	shalt  }
0x5a: {  	_ =	shalt  }
0x5b: {  	_ =	shalt  }
0x5c: {  	_ =	shalt  }
0x5d: {  	_ =	shalt  }
0x5e: {  	_ =	shalt  }
0x5f: {  	_ =	shalt  }
0x60: {  	_ =	shalt  }
0x61: {  	_ =	shalt  }
0x62: {  	_ =	shalt  }
0x63: {  	_ =	shalt  }
0x64: {  	_ =	shalt  }
0x65: {  	_ =	shalt  }
0x66: {  	_ =	shalt  }
0x67: {  	_ =	shalt  }
0x68: {  	_ =	shalt  }
0x69: {  	_ =	shalt  }
0x6a: {  	_ =	shalt  }
0x6b: {  	_ =	shalt  }
0x6c: {  	_ =	shalt  }
0x6d: {  	_ =	shalt  }
0x6e: {  	_ =	shalt  }
0x6f: {  	_ =	shalt  }
0x70: {  	_ =	shalt  }
0x71: {  	_ =	shalt  }
0x72: {  	_ =	shalt  }
0x73: {  	_ =	shalt  }
0x74: {  	_ =	shalt  }
0x75: {  	_ =	shalt  }
0x76: {  	_ =	shalt  }
0x77: {  	_ =	shalt  }
0x78: {  	_ =	shalt  }
0x79: {  	_ =	shalt  }
0x7a: {  	_ =	shalt  }
0x7b: {  	_ =	shalt  }
0x7c: {  	_ =	shalt  }
0x7d: {  	_ =	shalt  }
0x7e: {  	_ =	shalt  }
0x7f: {  	_ =	shalt  }
0x80: {  	_ =	shalt  }
0x81: {  	_ =	shalt  }
0x82: {  	_ =	shalt  }
0x83: {  	_ =	shalt  }
0x84: {  	_ =	shalt  }
0x85: {  	_ =	shalt  }
0x86: {  	_ =	shalt  }
0x87: {  	_ =	shalt  }
.Lfunc_end0:
.L_simem_size_0:
called_computation_lowered:
.L_overlay_start_0:
0x88: {  	s2 =	sld [smem:$0x3FD9]  }
0x89: {  	s3 =	sld [smem:$0x3FFE];
	_ =	sdelay $0x1  }
0x8a: {  	s1 =	srdreg.scid  }
0x8b: {  	s0 =	sand.u32 $0x1, s1  }
0x8c: {  	s17 =	sshll.u32 s0, $0xA;
	s2 =	sadd.s32 s3, s2  }
0x8d: {  	s2 =	sadd.s32 s2, s17  }
0x8e: {  	[smem:$0x3FC6] =	sst s2  }
0x8f: {  	_ = 	snop  }
0x90: {  	s2 =	sld [smem:$0x3FD0];
	(tm) =	ssettm $0x1  }
0x91: {  	s18 =	sld [smem:$0x3FFB];
	_ =	sdelay $0x3  }
0x92: {  	_ =	strace s18  }
0x93: {  	s3 =	sld [smem:$0x3FFC];
	_ =	sdelay $0x3  }
0x94: {  	_ =	strace s3  }
0x95: {  	s3 =	sld [smem:$0x3FFD];
	_ =	sdelay $0x3  }
0x96: {  	_ =	strace s3  }
0x97: {  	_ =	strace $0x8FFFFFFF  }
0x98: {  	s19 =	sld [smem:$0x3FDB];
	_ =	sdelay $0x1  }
0x99: {  	s4 =	simm.s32 $_scs_section_size  }
0x9a: {  	s5 =	simm.s32 $_size__tile_overlayer_lowered;
	s6 =	simm.s32 $_tile_overlayer_lowered  }
0x9b: {  	s22 =	simm.s32 $0x1BFF;
	s21 =	sshll.u32 s6, $0x1;
	s3 =	sadd.s32 s4, s19  }
0x9c: {  	s7 =	simm.s32 $0x0;
	s20 =	sshll.u32 s5, $0x1;
	s5 =	sadd.s32 s21, s3  }
0x9d: {  	[timem:s7], [sflag:s22] =	dma.local [hbm:s5], s20  }
0x9e: {  	_ =	swait.ge [sflag:s22], s20  }
0x9f: {  	s4 =	ssub.s32 $0x0, s20;
	[sflag:s22] =	ssyncset.done $0x0  }
0xa0: {  	[sflag:s22] =	ssyncadd.s32 s4;
	_ =	sdelay $0x1  }
0xa1: {  	s23 =	simm.s32 $0x1B8B  }
0xa2: {  	_ =	swait.ge [sflag:s23], $0x1  }
0xa3: {  	[sflag:s23] =	ssyncset.done $0x0  }
0xa4: {  	s25 =	simm.s32 $0x1B8E;
	s24 =	sld [smem:$0x3FFE];
	[sflag:s23] =	ssyncadd.s32 $0xFFFFFFFF  }
0xa5: {  	s26 =	simm.s32 $execute0_lowered;
	[smem:$0x3FD2] =	sst s25  }
0xa6: {  	s5 =	sshll.u32 s26, $0x1;
	_ =	strace $0x80000046;
	[dreg:$0x1] =	wrdreg $0xFFFFFFFF  }
0xa7: {  	s28 =	simm.s32 $_size_execute0_lowered;
	s3 =	sadd.s32 s3, s5;
	[dreg:$0x0] =	wrdreg $0x0  }
0xa8: {  	s5 =	sshll.u32 s28, $0x1;
	[dreg:$0x2] =	wrdreg s3  }
0xa9: {  	[dreg:$0x3] =	wrdreg s5  }
0xaa: {  	[dreg:$0x4] =	wrdreg $0xC0  }
0xab: {  	_ =	task [dreg:s7], $0x5FFFF  }
0xac: {  	[dreg:$0x1] =	wrdreg $0xFFFFFFFF  }
0xad: {  	[dreg:$0x0] =	wrdreg $0x60  }
0xae: {  	[dreg:$0x2] =	wrdreg s2  }
0xaf: {  	[dreg:$0x3] =	wrdreg s24  }
0xb0: {  	[dreg:$0x4] =	wrdreg $0x9  }
0xb1: {  	_ =	task.clear_ibuf [dreg:s7], $0x5FFFF;
	_ =	strace $0x90000046  }
0xb2: {  	s29 =	simm.s32 $0x9;
	_ =	strace $0x80000048  }
0xb3: {  	_ =	swait.ge [sflag:s29], $0x1  }
0xb4: {  	[sflag:s29] =	ssyncadd.s32 $0xFFFFFFFF  }
0xb5: {  	_ =	strace $0x90000048  }
0xb6: {  	_ =	sfence  }
0xb7: {  	s30 =	sld [smem:$0x0];
	_ =	sdelay $0x2  }
0xb8: {  	s31 =	sshll.u32 s1, $0xD;
	s1 =	sshrl.u32 s1, $0x2  }
0xb9: {  	s3 =	sand.u32 $0x4000, s31;
	s1 =	sadd.s32 s1, s30  }
0xba: {  	s0 =	sor.u32 s3, s0;
	s1 =	sshll.u32 s1, $0x11  }
0xbb: {  	s0 =	sor.u32 s1, s0  }
0xbc: {  	s0 =	sadd.s32 $0x8F2B, s0  }
0xbd: {  	[sflag:s0] =	ssyncadd.remote.s32 $0x1  }
0xbe: {  	_ =	sfence.sel $0xFFFF  }
0xbf: {  	[dreg:$0x0] =	wrdreg $0xFFFFFFFF;
	(pc) =	sbr.abs _section_cstart, $3  }
0xc0: {  	[dreg:$0x1] =	wrdreg $0xFFFFFFFF  }
0xc1: {  	_ =	task.clear_ibuf [dreg:s7], $0x2FFFF;
	_ =	strace $0x9FFFFFFF  }
0xc2: {  	(tm) =	ssettm $0x7FFFFFFF  }
0xc3: {  	_ =	shalt  }
tec
execute0_lowered:
.L_overlay_start_1:
0x0: {  	(tag) =	ssettag $0x1  }
0x1: {  	s9 =	rddreg [dreg:$0x0];
	s1 =	srdreg.scid  }
0x2: {  	s0 =	stileid.u32;
	s4 =	rddreg [dreg:$0x1]  }
0x3: {  	s2 =	simm.s32 $0x0;
	s15 =	simm.s32 $0x6480;
	s16 =	simm.s32 $0x1  }
0x4: {  	s17 =	simm.s32 $0xC880;
	s18 =	simm.s32 $0x2;
	s19 =	simm.s32 $0x12C80  }
0x5: {  	s20 =	simm.s32 $0x3;
	s3 =	sand.u32 $0x1, s1;
	s5 =	sshll.u32 s0, $0x1  }
0x6: {  	s21 =	simm.s32 $0x4;
	s22 =	simm.s32 $0x0;
	s5 =	sor.u32 s3, s5  }
0x7: {  	s1 =	rddreg [dreg:$0x2];
	s6 =	ssub.s32 $0x2, s3;
	s5 =	smul.u32 $0x19000, s5  }
0x8: {  	[smem:$0x7FF] =	sst s2;
	s11 =	sadd.s32 $0x600, s4;
	s7 =	sshrl.u32 s6, $0x1  }
0x9: {  	_ =	strace $0x80000047;
	s12 =	ssub.s32 s6, s7;
	s8 =	sshrl.u32 s5, $0x3  }
0xa: {  	s3 =	sadd.s32 $0x400, s4;
	s12 =	smax.u32 s12, $0x1;
	s10 =	sadd.s32 $0xC80, s8  }
0xb: {  	s4 =	sadd.s32 s9, s8;
	s13 =	sadd.s32 $0x1900, s8;
	s6 =	sadd.s32 s11, s8  }
0xc: {  	s14 =	sadd.s32 $0x2580, s8;
	s5 =	sadd.s32 s9, s10;
	s7 =	sadd.s32 s9, s13  }
0xd: {  	s8 =	sadd.s32 s11, s10;
	s9 =	sadd.s32 s9, s14;
	s10 =	sadd.s32 s11, s13  }
0xe: {  	s11 =	sadd.s32 s11, s14;
	s13 =	simm.s32 $0x5;
	s14 =	simm.s32 $0x80  }
.LBB2_1:
0xf: {  	[tilespmem:s2], [sflag:$0x5] =	stream.linear.gather [hbm4b:s3+s2], $0x80, $0x38;
	[tilespmem:$0x19080] =	vst v63  }
0x10: {  	_ =	swait.ge [sflag:s13], $0x80  }
0x11: {  	[sflag:s13] =	ssyncset.done $0x0  }
0x12: {  	[sflag:s13] =	ssyncadd.s32 $0xFFFFFF80  }
0x13: {  	[tilespmem:s14], [sflag:$0x1] =	stream.linear.gather [hbm4b:s4+s2], $0x6400, $0x38;
	[tilespmem:$0x19080] =	vst v63  }
0x14: {  	_ = 	snop  }
0x15: {  	[tilespmem:s15], [sflag:$0x2] =	stream.linear.gather [hbm4b:s5+s2], $0x6400, $0x38;
	[tilespmem:$0x19080] =	vst v63  }
0x16: {  	_ =	swait.ge [sflag:s16], $0x6400  }
0x17: {  	[sflag:s16] =	ssyncset.done $0x0  }
0x18: {  	s23 =	simm.s32 $0xC0;
	[sflag:s16] =	ssyncadd.s32 $0xFFFF9C00  }
0x19: {  	v0 =	vld [tilespmem:s23+$0x30]  }
0x1a: {  	v1 =	vld [tilespmem:s23+$0xFFFFFFD0]  }
0x1b: {  	v2 =	vld [tilespmem:s23+$0xFFFFFFE0]  }
0x1c: {  	v3 =	vld [tilespmem:s23+$0xFFFFFFF0]  }
0x1d: {  	v4 =	vld [tilespmem:s23+$0x0]  }
0x1e: {  	v6 =	vld [tilespmem:s23+$0x10]  }
0x1f: {  	v7 =	vld [tilespmem:s23+$0x20]  }
0x20: {  	v8 =	vld [tilespmem:s23+$0xFFFFFFC0]  }
0x21: {  	v9 =	vld.idx.msk [tilespmem:v0+s2+$0x0], $0xffff  }
0x22: {  	v10 =	vld.idx.msk [tilespmem:v1+s2+$0x0], $0xffff  }
0x23: {  	v5 =	vld.idx.msk [tilespmem:v2+s2+$0x0], $0xffff  }
0x24: {  	v3 =	vld.idx.msk [tilespmem:v3+s2+$0x0], $0xffff  }
0x25: {  	v0 =	vld.idx.msk [tilespmem:v4+s2+$0x0], $0xffff  }
0x26: {  	s23 =	simm.s32 $0xC8C0;
	v1 =	vld.idx.msk [tilespmem:v6+s2+$0x0], $0xffff  }
0x27: {  	v2 =	vld.idx.msk [tilespmem:v7+s2+$0x0], $0xffff;
	[tilespmem:s23+$0x30] =	vst v9  }
0x28: {  	s24 =	simm.s32 $0x0;
	s25 =	simm.s32 $0x140;
	v4 =	vld.idx.msk [tilespmem:v8+s2+$0x0], $0xffff;
	[tilespmem:s23+$0xFFFFFFD0] =	vst v10  }
.LBB2_2:
0x29: {  	v6 =	vld [tilespmem:s25+$0x30];
	s24 =	sadd.s32 $0x8, s24;
	[tilespmem:s23+$0xFFFFFFE0] =	vst v5  }
0x2a: {  	v5 =	vld [tilespmem:s25+$0xFFFFFFD0];
	p0 =	slt.u32 s24, $0x638;
	[tilespmem:s23+$0xFFFFFFF0] =	vst v3  }
0x2b: {  	v3 =	vld [tilespmem:s25+$0xFFFFFFE0];
	[tilespmem:s23+$0x0] =	vst v0  }
0x2c: {  	v0 =	vld [tilespmem:s25+$0xFFFFFFF0];
	[tilespmem:s23+$0x10] =	vst v1  }
0x2d: {  	v1 =	vld [tilespmem:s25+$0x0];
	[tilespmem:s23+$0x20] =	vst v2  }
0x2e: {  	v2 =	vld [tilespmem:s25+$0x10];
	[tilespmem:s23+$0xFFFFFFC0] =	vst v4  }
0x2f: {  	v4 =	vld [tilespmem:s25+$0x20]  }
0x30: {  	v7 =	vld [tilespmem:s25+$0xFFFFFFC0]  }
0x31: {  	v6 =	vld.idx.msk [tilespmem:v6+s2+$0x0], $0xffff  }
0x32: {  	v8 =	vld.idx.msk [tilespmem:v5+s2+$0x0], $0xffff  }
0x33: {  	v5 =	vld.idx.msk [tilespmem:v3+s2+$0x0], $0xffff  }
.Ltmp0:
0x34: {  	v3 =	vld.idx.msk [tilespmem:v0+s2+$0x0], $0xffff;
	(pc) =	sbr.rel @p0 .LBB2_2-.Ltmp0, $4  }
0x35: {  	v0 =	vld.idx.msk [tilespmem:v1+s2+$0x0], $0xffff  }
0x36: {  	s23 =	sadd.s32 $0x80, s23;
	v1 =	vld.idx.msk [tilespmem:v2+s2+$0x0], $0xffff  }
0x37: {  	v2 =	vld.idx.msk [tilespmem:v4+s2+$0x0], $0xffff;
	[tilespmem:s23+$0x30] =	vst v6  }
0x38: {  	s25 =	sadd.s32 $0x80, s25;
	v4 =	vld.idx.msk [tilespmem:v7+s2+$0x0], $0xffff;
	[tilespmem:s23+$0xFFFFFFD0] =	vst v8  }
0x39: {  	[tilespmem:s23+$0xFFFFFFE0] =	vst v5  }
0x3a: {  	[tilespmem:s23+$0xFFFFFFF0] =	vst v3  }
0x3b: {  	[tilespmem:s23+$0x0] =	vst v0  }
0x3c: {  	[tilespmem:s23+$0x10] =	vst v1  }
0x3d: {  	[tilespmem:s23+$0x20] =	vst v2  }
0x3e: {  	[tilespmem:s23+$0xFFFFFFC0] =	vst v4  }
0x3f: {  	[hbm4b:s6+s2] =	stream.linear.scatter [tilespmem:s17], [sflag:$0x3], $0x6400, $0x38;
	[tilespmem:$0x19080] =	vst v63  }
0x40: {  	_ = 	snop  }
0x41: {  	[tilespmem:s14], [sflag:$0x1] =	stream.linear.gather [hbm4b:s7+s2], $0x6400, $0x38;
	[tilespmem:$0x19080] =	vst v63  }
0x42: {  	_ =	swait.ge [sflag:s18], $0x6400  }
0x43: {  	[sflag:s18] =	ssyncset.done $0x0  }
0x44: {  	s31 =	simm.s32 $0x64C0;
	[sflag:s18] =	ssyncadd.s32 $0xFFFF9C00  }
0x45: {  	v0 =	vld [tilespmem:s31+$0x30]  }
0x46: {  	v1 =	vld [tilespmem:s31+$0xFFFFFFD0]  }
0x47: {  	v2 =	vld [tilespmem:s31+$0xFFFFFFE0]  }
0x48: {  	v3 =	vld [tilespmem:s31+$0xFFFFFFF0]  }
0x49: {  	v4 =	vld [tilespmem:s31+$0x0]  }
0x4a: {  	v6 =	vld [tilespmem:s31+$0x10]  }
0x4b: {  	v7 =	vld [tilespmem:s31+$0x20]  }
0x4c: {  	v8 =	vld [tilespmem:s31+$0xFFFFFFC0]  }
0x4d: {  	v9 =	vld.idx.msk [tilespmem:v0+s2+$0x0], $0xffff  }
0x4e: {  	v10 =	vld.idx.msk [tilespmem:v1+s2+$0x0], $0xffff  }
0x4f: {  	v5 =	vld.idx.msk [tilespmem:v2+s2+$0x0], $0xffff  }
0x50: {  	v3 =	vld.idx.msk [tilespmem:v3+s2+$0x0], $0xffff  }
0x51: {  	v0 =	vld.idx.msk [tilespmem:v4+s2+$0x0], $0xffff  }
0x52: {  	s23 =	simm.s32 $0x12CC0;
	v1 =	vld.idx.msk [tilespmem:v6+s2+$0x0], $0xffff  }
0x53: {  	v2 =	vld.idx.msk [tilespmem:v7+s2+$0x0], $0xffff;
	[tilespmem:s23+$0x30] =	vst v9  }
0x54: {  	s24 =	simm.s32 $0x0;
	s25 =	simm.s32 $0x6540;
	v4 =	vld.idx.msk [tilespmem:v8+s2+$0x0], $0xffff;
	[tilespmem:s23+$0xFFFFFFD0] =	vst v10  }
.LBB2_4:
0x55: {  	v6 =	vld [tilespmem:s25+$0x30];
	s24 =	sadd.s32 $0x8, s24;
	[tilespmem:s23+$0xFFFFFFE0] =	vst v5  }
0x56: {  	v5 =	vld [tilespmem:s25+$0xFFFFFFD0];
	p0 =	slt.u32 s24, $0x638;
	[tilespmem:s23+$0xFFFFFFF0] =	vst v3  }
0x57: {  	v3 =	vld [tilespmem:s25+$0xFFFFFFE0];
	[tilespmem:s23+$0x0] =	vst v0  }
0x58: {  	v0 =	vld [tilespmem:s25+$0xFFFFFFF0];
	[tilespmem:s23+$0x10] =	vst v1  }
0x59: {  	v1 =	vld [tilespmem:s25+$0x0];
	[tilespmem:s23+$0x20] =	vst v2  }
0x5a: {  	v2 =	vld [tilespmem:s25+$0x10];
	[tilespmem:s23+$0xFFFFFFC0] =	vst v4  }
0x5b: {  	v4 =	vld [tilespmem:s25+$0x20]  }
0x5c: {  	v7 =	vld [tilespmem:s25+$0xFFFFFFC0]  }
0x5d: {  	v6 =	vld.idx.msk [tilespmem:v6+s2+$0x0], $0xffff  }
0x5e: {  	v8 =	vld.idx.msk [tilespmem:v5+s2+$0x0], $0xffff  }
0x5f: {  	v5 =	vld.idx.msk [tilespmem:v3+s2+$0x0], $0xffff  }
.Ltmp1:
0x60: {  	v3 =	vld.idx.msk [tilespmem:v0+s2+$0x0], $0xffff;
	(pc) =	sbr.rel @p0 .LBB2_4-.Ltmp1, $4  }
0x61: {  	v0 =	vld.idx.msk [tilespmem:v1+s2+$0x0], $0xffff  }
0x62: {  	s23 =	sadd.s32 $0x80, s23;
	v1 =	vld.idx.msk [tilespmem:v2+s2+$0x0], $0xffff  }
0x63: {  	v2 =	vld.idx.msk [tilespmem:v4+s2+$0x0], $0xffff;
	[tilespmem:s23+$0x30] =	vst v6  }
0x64: {  	s25 =	sadd.s32 $0x80, s25;
	v4 =	vld.idx.msk [tilespmem:v7+s2+$0x0], $0xffff;
	[tilespmem:s23+$0xFFFFFFD0] =	vst v8  }
0x65: {  	[tilespmem:s23+$0xFFFFFFE0] =	vst v5  }
0x66: {  	[tilespmem:s23+$0xFFFFFFF0] =	vst v3  }
0x67: {  	[tilespmem:s23+$0x0] =	vst v0  }
0x68: {  	[tilespmem:s23+$0x10] =	vst v1  }
0x69: {  	[tilespmem:s23+$0x20] =	vst v2  }
0x6a: {  	[tilespmem:s23+$0xFFFFFFC0] =	vst v4  }
0x6b: {  	[hbm4b:s8+s2] =	stream.linear.scatter [tilespmem:s19], [sflag:$0x4], $0x6400, $0x38;
	[tilespmem:$0x19080] =	vst v63  }
0x6c: {  	_ = 	snop  }
0x6d: {  	[tilespmem:s15], [sflag:$0x2] =	stream.linear.gather [hbm4b:s9+s2], $0x6400, $0x38;
	[tilespmem:$0x19080] =	vst v63  }
0x6e: {  	_ =	swait.ge [sflag:s16], $0x6400  }
0x6f: {  	[sflag:s16] =	ssyncset.done $0x0  }
0x70: {  	[sflag:s16] =	ssyncadd.s32 $0xFFFF9C00  }
0x71: {  	_ =	swait.ge [sflag:s20], $0x6400  }
0x72: {  	[sflag:s20] =	ssyncset.done $0x0  }
0x73: {  	s31 =	simm.s32 $0xC0;
	[sflag:s20] =	ssyncadd.s32 $0xFFFF9C00  }
0x74: {  	v0 =	vld [tilespmem:s31+$0x30]  }
0x75: {  	v1 =	vld [tilespmem:s31+$0xFFFFFFD0]  }
0x76: {  	v2 =	vld [tilespmem:s31+$0xFFFFFFE0]  }
0x77: {  	v3 =	vld [tilespmem:s31+$0xFFFFFFF0]  }
0x78: {  	v4 =	vld [tilespmem:s31+$0x0]  }
0x79: {  	v6 =	vld [tilespmem:s31+$0x10]  }
0x7a: {  	v7 =	vld [tilespmem:s31+$0x20]  }
0x7b: {  	v8 =	vld [tilespmem:s31+$0xFFFFFFC0]  }
0x7c: {  	v9 =	vld.idx.msk [tilespmem:v0+s2+$0x0], $0xffff  }
0x7d: {  	v10 =	vld.idx.msk [tilespmem:v1+s2+$0x0], $0xffff  }
0x7e: {  	v5 =	vld.idx.msk [tilespmem:v2+s2+$0x0], $0xffff  }
0x7f: {  	v3 =	vld.idx.msk [tilespmem:v3+s2+$0x0], $0xffff  }
0x80: {  	v0 =	vld.idx.msk [tilespmem:v4+s2+$0x0], $0xffff  }
0x81: {  	s23 =	simm.s32 $0xC8C0;
	v1 =	vld.idx.msk [tilespmem:v6+s2+$0x0], $0xffff  }
0x82: {  	v2 =	vld.idx.msk [tilespmem:v7+s2+$0x0], $0xffff;
	[tilespmem:s23+$0x30] =	vst v9  }
0x83: {  	s24 =	simm.s32 $0x0;
	s25 =	simm.s32 $0x140;
	v4 =	vld.idx.msk [tilespmem:v8+s2+$0x0], $0xffff;
	[tilespmem:s23+$0xFFFFFFD0] =	vst v10  }
.LBB2_6:
0x84: {  	v6 =	vld [tilespmem:s25+$0x30];
	s24 =	sadd.s32 $0x8, s24;
	[tilespmem:s23+$0xFFFFFFE0] =	vst v5  }
0x85: {  	v5 =	vld [tilespmem:s25+$0xFFFFFFD0];
	p0 =	slt.u32 s24, $0x638;
	[tilespmem:s23+$0xFFFFFFF0] =	vst v3  }
0x86: {  	v3 =	vld [tilespmem:s25+$0xFFFFFFE0];
	[tilespmem:s23+$0x0] =	vst v0  }
0x87: {  	v0 =	vld [tilespmem:s25+$0xFFFFFFF0];
	[tilespmem:s23+$0x10] =	vst v1  }
0x88: {  	v1 =	vld [tilespmem:s25+$0x0];
	[tilespmem:s23+$0x20] =	vst v2  }
0x89: {  	v2 =	vld [tilespmem:s25+$0x10];
	[tilespmem:s23+$0xFFFFFFC0] =	vst v4  }
0x8a: {  	v4 =	vld [tilespmem:s25+$0x20]  }
0x8b: {  	v7 =	vld [tilespmem:s25+$0xFFFFFFC0]  }
0x8c: {  	v6 =	vld.idx.msk [tilespmem:v6+s2+$0x0], $0xffff  }
0x8d: {  	v8 =	vld.idx.msk [tilespmem:v5+s2+$0x0], $0xffff  }
0x8e: {  	v5 =	vld.idx.msk [tilespmem:v3+s2+$0x0], $0xffff  }
.Ltmp2:
0x8f: {  	v3 =	vld.idx.msk [tilespmem:v0+s2+$0x0], $0xffff;
	(pc) =	sbr.rel @p0 .LBB2_6-.Ltmp2, $4  }
0x90: {  	v0 =	vld.idx.msk [tilespmem:v1+s2+$0x0], $0xffff  }
0x91: {  	s23 =	sadd.s32 $0x80, s23;
	v1 =	vld.idx.msk [tilespmem:v2+s2+$0x0], $0xffff  }
0x92: {  	v2 =	vld.idx.msk [tilespmem:v4+s2+$0x0], $0xffff;
	[tilespmem:s23+$0x30] =	vst v6  }
0x93: {  	s25 =	sadd.s32 $0x80, s25;
	v4 =	vld.idx.msk [tilespmem:v7+s2+$0x0], $0xffff;
	[tilespmem:s23+$0xFFFFFFD0] =	vst v8  }
0x94: {  	[tilespmem:s23+$0xFFFFFFE0] =	vst v5  }
0x95: {  	[tilespmem:s23+$0xFFFFFFF0] =	vst v3  }
0x96: {  	[tilespmem:s23+$0x0] =	vst v0  }
0x97: {  	[tilespmem:s23+$0x10] =	vst v1  }
0x98: {  	[tilespmem:s23+$0x20] =	vst v2  }
0x99: {  	[tilespmem:s23+$0xFFFFFFC0] =	vst v4  }
0x9a: {  	[hbm4b:s10+s2] =	stream.linear.scatter [tilespmem:s17], [sflag:$0x3], $0x6400, $0x38;
	[tilespmem:$0x19080] =	vst v63  }
0x9b: {  	_ =	swait.ge [sflag:s18], $0x6400  }
0x9c: {  	[sflag:s18] =	ssyncset.done $0x0  }
0x9d: {  	[sflag:s18] =	ssyncadd.s32 $0xFFFF9C00  }
0x9e: {  	_ =	swait.ge [sflag:s21], $0x6400  }
0x9f: {  	[sflag:s21] =	ssyncset.done $0x0  }
0xa0: {  	s31 =	simm.s32 $0x64C0;
	[sflag:s21] =	ssyncadd.s32 $0xFFFF9C00  }
0xa1: {  	v0 =	vld [tilespmem:s31+$0x30]  }
0xa2: {  	v1 =	vld [tilespmem:s31+$0xFFFFFFD0]  }
0xa3: {  	v2 =	vld [tilespmem:s31+$0xFFFFFFE0]  }
0xa4: {  	v3 =	vld [tilespmem:s31+$0xFFFFFFF0]  }
0xa5: {  	v4 =	vld [tilespmem:s31+$0x0]  }
0xa6: {  	v6 =	vld [tilespmem:s31+$0x10]  }
0xa7: {  	v7 =	vld [tilespmem:s31+$0x20]  }
0xa8: {  	v8 =	vld [tilespmem:s31+$0xFFFFFFC0]  }
0xa9: {  	v9 =	vld.idx.msk [tilespmem:v0+s2+$0x0], $0xffff  }
0xaa: {  	v10 =	vld.idx.msk [tilespmem:v1+s2+$0x0], $0xffff  }
0xab: {  	v5 =	vld.idx.msk [tilespmem:v2+s2+$0x0], $0xffff  }
0xac: {  	v3 =	vld.idx.msk [tilespmem:v3+s2+$0x0], $0xffff  }
0xad: {  	v0 =	vld.idx.msk [tilespmem:v4+s2+$0x0], $0xffff  }
0xae: {  	s23 =	simm.s32 $0x12CC0;
	v1 =	vld.idx.msk [tilespmem:v6+s2+$0x0], $0xffff  }
0xaf: {  	v2 =	vld.idx.msk [tilespmem:v7+s2+$0x0], $0xffff;
	[tilespmem:s23+$0x30] =	vst v9  }
0xb0: {  	s24 =	simm.s32 $0x0;
	s25 =	simm.s32 $0x6540;
	v4 =	vld.idx.msk [tilespmem:v8+s2+$0x0], $0xffff;
	[tilespmem:s23+$0xFFFFFFD0] =	vst v10  }
.LBB2_8:
0xb1: {  	v6 =	vld [tilespmem:s25+$0x30];
	s24 =	sadd.s32 $0x8, s24;
	[tilespmem:s23+$0xFFFFFFE0] =	vst v5  }
0xb2: {  	v5 =	vld [tilespmem:s25+$0xFFFFFFD0];
	p0 =	slt.u32 s24, $0x638;
	[tilespmem:s23+$0xFFFFFFF0] =	vst v3  }
0xb3: {  	v3 =	vld [tilespmem:s25+$0xFFFFFFE0];
	[tilespmem:s23+$0x0] =	vst v0  }
0xb4: {  	v0 =	vld [tilespmem:s25+$0xFFFFFFF0];
	[tilespmem:s23+$0x10] =	vst v1  }
0xb5: {  	v1 =	vld [tilespmem:s25+$0x0];
	[tilespmem:s23+$0x20] =	vst v2  }
0xb6: {  	v2 =	vld [tilespmem:s25+$0x10];
	[tilespmem:s23+$0xFFFFFFC0] =	vst v4  }
0xb7: {  	v4 =	vld [tilespmem:s25+$0x20]  }
0xb8: {  	v7 =	vld [tilespmem:s25+$0xFFFFFFC0]  }
0xb9: {  	v6 =	vld.idx.msk [tilespmem:v6+s2+$0x0], $0xffff  }
0xba: {  	v8 =	vld.idx.msk [tilespmem:v5+s2+$0x0], $0xffff  }
0xbb: {  	v5 =	vld.idx.msk [tilespmem:v3+s2+$0x0], $0xffff  }
.Ltmp3:
0xbc: {  	v3 =	vld.idx.msk [tilespmem:v0+s2+$0x0], $0xffff;
	(pc) =	sbr.rel @p0 .LBB2_8-.Ltmp3, $4  }
0xbd: {  	v0 =	vld.idx.msk [tilespmem:v1+s2+$0x0], $0xffff  }
0xbe: {  	s23 =	sadd.s32 $0x80, s23;
	v1 =	vld.idx.msk [tilespmem:v2+s2+$0x0], $0xffff  }
0xbf: {  	v2 =	vld.idx.msk [tilespmem:v4+s2+$0x0], $0xffff;
	[tilespmem:s23+$0x30] =	vst v6  }
0xc0: {  	s25 =	sadd.s32 $0x80, s25;
	v4 =	vld.idx.msk [tilespmem:v7+s2+$0x0], $0xffff;
	[tilespmem:s23+$0xFFFFFFD0] =	vst v8  }
0xc1: {  	[tilespmem:s23+$0xFFFFFFE0] =	vst v5  }
0xc2: {  	[tilespmem:s23+$0xFFFFFFF0] =	vst v3  }
0xc3: {  	[tilespmem:s23+$0x0] =	vst v0  }
0xc4: {  	[tilespmem:s23+$0x10] =	vst v1  }
0xc5: {  	[tilespmem:s23+$0x20] =	vst v2  }
0xc6: {  	s22 =	sadd.s32 $0x1, s22;
	[tilespmem:s23+$0xFFFFFFC0] =	vst v4  }
0xc7: {  	[hbm4b:s11+s2] =	stream.linear.scatter [tilespmem:s19], [sflag:$0x4], $0x6400, $0x38;
	[tilespmem:$0x19080] =	vst v63  }
0xc8: {  	p0 =	sne.s32 s22, s12;
	_ =	swait.ge [sflag:s20], $0x6400  }
.Ltmp4:
0xc9: {  	[sflag:s20] =	ssyncset.done $0x0;
	(pc) =	sbr.rel @p0 .LBB2_1-.Ltmp4, $4  }
0xca: {  	[sflag:s20] =	ssyncadd.s32 $0xFFFF9C00  }
0xcb: {  	_ =	swait.ge [sflag:s21], $0x6400  }
0xcc: {  	[sflag:s21] =	ssyncset.done $0x0  }
0xcd: {  	[sflag:s21] =	ssyncadd.s32 $0xFFFF9C00  }
0xce: {  	_ =	sfence.sel $0x180000  }
0xcf: {  	[bflag:$0x0] =	sbarrier.arrive $0xFFFF  }
0xd0: {  	p0 =	sne.s32 s0, $0x0;
	_ =	strace $0x90000047  }
0xd1: {  	s0 =	sadd.s32 @!p0 $0x100000, s1;
	[bflag:$0x2] =	sbarrier.arrive $0xFFFF  }
0xd2: {  	[sflag:s0] =	ssyncadd.tile.s32 @!p0 $0x1;
	_ =	shalt  }
.Lfunc_end2:
_tile_overlayer_lowered:
.L_overlay_start_2:
0xd3: {  	(tag) =	ssettag $0x2  }
0xd4: {  	s0 =	rddreg [dreg:$0x0];
	s2 =	stileid.u32  }
0xd5: {  	s1 =	rddreg [dreg:$0x1];
	p0 =	sne.s32 s2, $0x0  }
0xd6: {  	s3 =	rddreg [dreg:$0x2];
	[bflag:$0x3] =	sbarrier.arrive $0xFFFF;
	s2 =	simm.s32 @!p0 $0x1C05  }
0xd7: {  	[timem:s3], [sflag:s2] =	dma.local @!p0 [hbm:s0], s1  }
0xd8: {  	s0 =	simm.s32 @!p0 $0x5  }
0xd9: {  	_ =	swait.ge @!p0 [sflag:s0], s1  }
0xda: {  	s1 =	ssub.s32 @!p0 $0x0, s1;
	[sflag:s0] =	ssyncset.done @!p0 $0x0  }
0xdb: {  	[sflag:s0] =	ssyncadd.s32 @!p0 s1  }
0xdc: {  	[bflag:$0x3] =	sbarrier.arrive $0xFFFF  }
0xdd: {  	_ =	shalt  }

</sc_bundles>
